<compile_context>
chip_gen: v7x
topology: tpu7x:2x2x1
jax: 0.10.2.dev20260603
libtpu: 0.0.44.dev20260713+nightly
codegen_flags: <defaults>
</compile_context>

<pallas_src>
import functools

import jax
import jax.numpy as jnp
from jax import lax
from jax.experimental import pallas as pl
from jax.experimental.pallas import tpu as pltpu
from jax.experimental.pallas import tpu_sc as plsc

N_NODES = 10000
N_EDGES = 320000
D_FEAT = 128
L = 16
NC, NS = 1, 16
NW = NC * NS

TILE = 128
N_TILES = N_EDGES // TILE
T_PER_W = N_TILES // NW
CHUNK = T_PER_W * TILE
REM_BASE = NW * CHUNK
N_REM = N_TILES - NW * T_PER_W
HALF = CHUNK // 2


def _tc_node_scores(b_ref, w_ref, h_ref, o_ref):
    rows = lax.broadcasted_iota(jnp.int32, (2, N_NODES), 0)
    bias = jnp.where(rows == 1, b_ref[0, 0], 0.0)
    o_ref[...] = (
        lax.dot_general(
            w_ref[...], h_ref[...],
            dimension_numbers=(((1,), (1,)), ((), ())),
            preferred_element_type=jnp.float32,
        )
        + bias
    )


_sc_mesh = plsc.VectorSubcoreMesh(
    core_axis_name="c", subcore_axis_name="s", num_cores=NC)


@functools.partial(
    pl.kernel,
    mesh=_sc_mesh,
    out_type=jax.ShapeDtypeStruct((1, N_EDGES), jnp.float32),
    compiler_params=pltpu.CompilerParams(needs_layout_passes=False),
    scratch_types=[
        pltpu.VMEM((N_NODES,), jnp.float32),
        pltpu.VMEM((N_NODES,), jnp.float32),
        pltpu.VMEM((2, CHUNK), jnp.int32),
        pltpu.VMEM((2, TILE), jnp.int32),
        pltpu.VMEM((CHUNK,), jnp.float32),
        pltpu.VMEM((TILE,), jnp.float32),
        pltpu.SemaphoreType.DMA,
        pltpu.SemaphoreType.DMA,
        pltpu.SemaphoreType.DMA,
    ],
)
def _sc_edge_gather(s_hbm, edge_hbm, out_hbm,
                    s1_v, s2_v, ei_v, ei2_v, out_v, out2_v,
                    sem, sem_b, sem_out):
    wid = lax.axis_index("s") * NC + lax.axis_index("c")
    base = wid * CHUNK
    rbase = REM_BASE + wid * TILE
    c1 = pltpu.async_copy(s_hbm.at[0], s1_v, sem)
    c2 = pltpu.async_copy(s_hbm.at[1], s2_v, sem)
    ca = pltpu.async_copy(edge_hbm.at[:, pl.ds(base, HALF)],
                          ei_v.at[:, pl.ds(0, HALF)], sem)
    cb = pltpu.async_copy(edge_hbm.at[:, pl.ds(base + HALF, HALF)],
                          ei_v.at[:, pl.ds(HALF, HALF)], sem_b)

    @pl.when(wid < N_REM)
    def _rem_fetch():
        pltpu.async_copy(edge_hbm.at[:, pl.ds(rbase, TILE)], ei2_v, sem_b)

    c1.wait()
    c2.wait()
    ca.wait()

    @plsc.parallel_loop(0, HALF, L, unroll=8)
    def _body_a(off):
        si = ei_v[0, pl.ds(off, L)]
        di = ei_v[1, pl.ds(off, L)]
        v1 = plsc.load_gather(s1_v, [si])
        v2 = plsc.load_gather(s2_v, [di])
        out_v[pl.ds(off, L)] = v1 + v2

    oa = pltpu.async_copy(out_v.at[pl.ds(0, HALF)],
                          out_hbm.at[0, pl.ds(base, HALF)], sem_out)
    cb.wait()

    @plsc.parallel_loop(HALF, CHUNK, L, unroll=8)
    def _body_b(off):
        si = ei_v[0, pl.ds(off, L)]
        di = ei_v[1, pl.ds(off, L)]
        v1 = plsc.load_gather(s1_v, [si])
        v2 = plsc.load_gather(s2_v, [di])
        out_v[pl.ds(off, L)] = v1 + v2

    ob = pltpu.async_copy(out_v.at[pl.ds(HALF, HALF)],
                          out_hbm.at[0, pl.ds(base + HALF, HALF)], sem_out)

    @pl.when(wid < N_REM)
    def _rem():
        pltpu.make_async_copy(edge_hbm.at[:, pl.ds(rbase, TILE)],
                              ei2_v, sem_b).wait()

        @plsc.parallel_loop(0, TILE, L, unroll=8)
        def _body2(off):
            si = ei2_v[0, pl.ds(off, L)]
            di = ei2_v[1, pl.ds(off, L)]
            v1 = plsc.load_gather(s1_v, [si])
            v2 = plsc.load_gather(s2_v, [di])
            out2_v[pl.ds(off, L)] = v1 + v2

        pltpu.sync_copy(out2_v, out_hbm.at[0, pl.ds(rbase, TILE)])

    oa.wait()
    ob.wait()


def kernel(h, edge_index, W, b):
    wmat = W.reshape(2, D_FEAT)
    s = pl.pallas_call(
        _tc_node_scores,
        in_specs=[
            pl.BlockSpec(memory_space=pltpu.SMEM),
            pl.BlockSpec((2, D_FEAT)),
            pl.BlockSpec((N_NODES, D_FEAT)),
        ],
        out_specs=pl.BlockSpec((2, N_NODES)),
        out_shape=jax.ShapeDtypeStruct((2, N_NODES), jnp.float32),
    )(b.reshape(1, 1), wmat, h)
    scores = _sc_edge_gather(s, edge_index)
    return scores.reshape(N_EDGES, 1)

# --- scband reference (transcript-rebuilt; emitter-appended) ---
"""Pipeline reference for scband-mlppredictor-30202210026092 (READ-ONLY COPY).

The authoritative reference and input builder live on the scoring server;
editing this copy changes nothing except your own understanding.
"""

import jax, jax.numpy as jnp
import numpy as np

N_NODES = 10000
N_EDGES = 320000
D_FEAT = 128
OUT_CLASSES = 1


def setup_inputs(seed: int = 0) -> dict:
    key = jax.random.key(seed)
    k_h, k_e, k_w, k_b = jax.random.split(key, 4)
    h = jax.random.normal(k_h, (N_NODES, D_FEAT), dtype=jnp.float32)
    edge_index = jax.random.randint(k_e, (2, N_EDGES), 0, N_NODES, dtype=jnp.int64 if jax.config.jax_enable_x64 else jnp.int32)
    # Linear(in_features*2, out_classes): weight [out, 2*in], bias [out]
    W = jax.random.normal(k_w, (OUT_CLASSES, 2 * D_FEAT), dtype=jnp.float32) * (1.0 / np.sqrt(2 * D_FEAT))
    b = jax.random.normal(k_b, (OUT_CLASSES,), dtype=jnp.float32) * 0.01
    return {"h": h, "edge_index": edge_index, "W": W, "b": b}


def reference(h, edge_index, W, b):
    # DGL apply_edges: for each edge (u -> v), score = Linear(cat([h_u, h_v], dim=1))
    src = edge_index[0]
    dst = edge_index[1]
    h_u = jnp.take(h, src, axis=0)  # gather src node features [E, d]
    h_v = jnp.take(h, dst, axis=0)  # gather dst node features [E, d]
    feat = jnp.concatenate([h_u, h_v], axis=1)  # [E, 2d]
    score = feat @ W.T + b  # [E, out_classes]
    return score

if __name__ == "__main__":
    import jax
    _d = setup_inputs()
    print(jax.jit(kernel)(*tuple(_d.values())))

</pallas_src>

<mosaic_0001>
#map = affine_map<(d0, d1) -> (0, 0)>
module attributes {stable_mosaic.version = 14 : i64} {
  func.func @_sc_edge_gather(%arg0: i32, %arg1: i32, %arg2: memref<2x10000xf32, #tpu.memory_space<hbm>>, %arg3: memref<2x320000xi32, #tpu.memory_space<hbm>>, %arg4: memref<1x320000xf32, #tpu.memory_space<hbm>>, %arg5: memref<10000xf32, #tpu.memory_space<vmem>>, %arg6: memref<10000xf32, #tpu.memory_space<vmem>>, %arg7: memref<2x19968xi32, #tpu.memory_space<vmem>>, %arg8: memref<2x128xi32, #tpu.memory_space<vmem>>, %arg9: memref<19968xf32, #tpu.memory_space<vmem>>, %arg10: memref<128xf32, #tpu.memory_space<vmem>>, %arg11: memref<!tpu.dma_semaphore, #tpu.memory_space<semaphore_mem>>, %arg12: memref<!tpu.dma_semaphore, #tpu.memory_space<semaphore_mem>>, %arg13: memref<!tpu.dma_semaphore, #tpu.memory_space<semaphore_mem>>) attributes {dimension_semantics = [#tpu.dimension_semantics<core_parallel>, #tpu.dimension_semantics<subcore_parallel>], iteration_bounds = array<i64: 1, 16>, scalar_prefetch = 0 : i64, scratch_operands = 9 : i64, tpu.core_type = #tpu.core_type<sc_vector_subcore>, window_params = [{transform_indices = #map}, {transform_indices = #map}, {transform_indices = #map}]} {
    %mul3A = arith.constant 1 : i32
    %mul3A_0 = arith.muli %arg1, %mul3A : i32
    %add3A = arith.addi %mul3A_0, %arg0 : i32
    %mul3A_1 = arith.constant 19968 : i32
    %mul3A_2 = arith.muli %add3A, %mul3A_1 : i32
    %mul3A_3 = arith.constant 128 : i32
    %mul3A_4 = arith.muli %add3A, %mul3A_3 : i32
    %add3A_5 = arith.constant 319488 : i32
    %add3A_6 = arith.addi %add3A_5, %mul3A_4 : i32
    %dma_start3A = arith.constant 0 : i32
    %dma_start3A_7 = arith.constant 0 : i32
    %dma_start3A_8 = tpu.memref_slice %arg2[%dma_start3A, %dma_start3A_7] : memref<2x10000xf32, #tpu.memory_space<hbm>> -> memref<1x10000xf32, #tpu.memory_space<hbm>>
    %dma_start3A_9 = tpu.memref_squeeze %dma_start3A_8 : memref<1x10000xf32, #tpu.memory_space<hbm>> -> memref<10000xf32, #tpu.memory_space<hbm>>
    %dma_start3A_10 = arith.constant 0 : i32
    %dma_start3A_11 = tpu.memref_slice %arg2[%dma_start3A, %dma_start3A_10] : memref<2x10000xf32, #tpu.memory_space<hbm>> -> memref<1x10000xf32, #tpu.memory_space<hbm>>
    %dma_start3A_12 = tpu.memref_squeeze %dma_start3A_11 : memref<1x10000xf32, #tpu.memory_space<hbm>> -> memref<10000xf32, #tpu.memory_space<hbm>>
    tpu.enqueue_dma source(%dma_start3A_12 : memref<10000xf32, #tpu.memory_space<hbm>>) target(%arg5 : memref<10000xf32, #tpu.memory_space<vmem>>) target_semaphore(%arg11 : memref<!tpu.dma_semaphore, #tpu.memory_space<semaphore_mem>>)
    %dma_start3A_13 = arith.constant 1 : i32
    %dma_start3A_14 = arith.constant 0 : i32
    %dma_start3A_15 = tpu.memref_slice %arg2[%dma_start3A_13, %dma_start3A_14] : memref<2x10000xf32, #tpu.memory_space<hbm>> -> memref<1x10000xf32, #tpu.memory_space<hbm>>
    %dma_start3A_16 = tpu.memref_squeeze %dma_start3A_15 : memref<1x10000xf32, #tpu.memory_space<hbm>> -> memref<10000xf32, #tpu.memory_space<hbm>>
    %dma_start3A_17 = arith.constant 0 : i32
    %dma_start3A_18 = tpu.memref_slice %arg2[%dma_start3A_13, %dma_start3A_17] : memref<2x10000xf32, #tpu.memory_space<hbm>> -> memref<1x10000xf32, #tpu.memory_space<hbm>>
    %dma_start3A_19 = tpu.memref_squeeze %dma_start3A_18 : memref<1x10000xf32, #tpu.memory_space<hbm>> -> memref<10000xf32, #tpu.memory_space<hbm>>
    tpu.enqueue_dma source(%dma_start3A_19 : memref<10000xf32, #tpu.memory_space<hbm>>) target(%arg6 : memref<10000xf32, #tpu.memory_space<vmem>>) target_semaphore(%arg11 : memref<!tpu.dma_semaphore, #tpu.memory_space<semaphore_mem>>)
    %dma_start3A_20 = arith.constant 0 : i32
    %dma_start3A_21 = arith.constant 0 : i32
    %dma_start3A_22 = tpu.memref_slice %arg7[%dma_start3A_20, %dma_start3A_21] : memref<2x19968xi32, #tpu.memory_space<vmem>> -> memref<2x9984xi32, #tpu.memory_space<vmem>>
    %dma_start3A_23 = arith.constant 0 : i32
    %dma_start3A_24 = tpu.memref_slice %arg3[%dma_start3A_23, %mul3A_2] : memref<2x320000xi32, #tpu.memory_space<hbm>> -> memref<2x9984xi32, #tpu.memory_space<hbm>>
    %dma_start3A_25 = arith.constant 0 : i32
    %dma_start3A_26 = arith.constant 0 : i32
    %dma_start3A_27 = tpu.memref_slice %arg7[%dma_start3A_25, %dma_start3A_26] : memref<2x19968xi32, #tpu.memory_space<vmem>> -> memref<2x9984xi32, #tpu.memory_space<vmem>>
    %dma_start3A_28 = arith.constant 0 : i32
    %dma_start3A_29 = tpu.memref_slice %arg3[%dma_start3A_28, %mul3A_2] : memref<2x320000xi32, #tpu.memory_space<hbm>> -> memref<2x9984xi32, #tpu.memory_space<hbm>>
    tpu.enqueue_dma source(%dma_start3A_29 : memref<2x9984xi32, #tpu.memory_space<hbm>>) target(%dma_start3A_27 : memref<2x9984xi32, #tpu.memory_space<vmem>>) target_semaphore(%arg11 : memref<!tpu.dma_semaphore, #tpu.memory_space<semaphore_mem>>)
    %add3A_30 = arith.constant 9984 : i32
    %add3A_31 = arith.addi %mul3A_2, %add3A_30 : i32
    %dma_start3A_32 = arith.constant 0 : i32
    %dma_start3A_33 = arith.constant 9984 : i32
    %dma_start3A_34 = tpu.memref_slice %arg7[%dma_start3A_32, %dma_start3A_33] : memref<2x19968xi32, #tpu.memory_space<vmem>> -> memref<2x9984xi32, #tpu.memory_space<vmem>>
    %dma_start3A_35 = arith.constant 0 : i32
    %dma_start3A_36 = tpu.memref_slice %arg3[%dma_start3A_35, %add3A_31] : memref<2x320000xi32, #tpu.memory_space<hbm>> -> memref<2x9984xi32, #tpu.memory_space<hbm>>
    %dma_start3A_37 = arith.constant 0 : i32
    %dma_start3A_38 = arith.constant 9984 : i32
    %dma_start3A_39 = tpu.memref_slice %arg7[%dma_start3A_37, %dma_start3A_38] : memref<2x19968xi32, #tpu.memory_space<vmem>> -> memref<2x9984xi32, #tpu.memory_space<vmem>>
    %dma_start3A_40 = arith.constant 0 : i32
    %dma_start3A_41 = tpu.memref_slice %arg3[%dma_start3A_40, %add3A_31] : memref<2x320000xi32, #tpu.memory_space<hbm>> -> memref<2x9984xi32, #tpu.memory_space<hbm>>
    tpu.enqueue_dma source(%dma_start3A_41 : memref<2x9984xi32, #tpu.memory_space<hbm>>) target(%dma_start3A_39 : memref<2x9984xi32, #tpu.memory_space<vmem>>) target_semaphore(%arg12 : memref<!tpu.dma_semaphore, #tpu.memory_space<semaphore_mem>>)
    %lt3A = arith.constant 4 : i32
    %lt3A_42 = arith.cmpi slt, %add3A, %lt3A : i32
    %convert_element_type3A = arith.extui %lt3A_42 : i1 to i32
    %cond3A = arith.constant 0 : i32
    %cond3A_43 = arith.cmpi ne, %convert_element_type3A, %cond3A : i32
    scf.if %cond3A_43 {
      %dma_start3A_125 = arith.constant 0 : i32
      %dma_start3A_126 = tpu.memref_slice %arg3[%dma_start3A_125, %add3A_6] : memref<2x320000xi32, #tpu.memory_space<hbm>> -> memref<2x128xi32, #tpu.memory_space<hbm>>
      %dma_start3A_127 = arith.constant 0 : i32
      %dma_start3A_128 = tpu.memref_slice %arg3[%dma_start3A_127, %add3A_6] : memref<2x320000xi32, #tpu.memory_space<hbm>> -> memref<2x128xi32, #tpu.memory_space<hbm>>
      tpu.enqueue_dma source(%dma_start3A_128 : memref<2x128xi32, #tpu.memory_space<hbm>>) target(%arg8 : memref<2x128xi32, #tpu.memory_space<vmem>>) target_semaphore(%arg12 : memref<!tpu.dma_semaphore, #tpu.memory_space<semaphore_mem>>)
    } else {
    }
    %dma_wait3A = arith.constant 0 : i32
    %dma_wait3A_44 = arith.constant 0 : i32
    %dma_wait3A_45 = tpu.memref_slice %arg2[%dma_wait3A, %dma_wait3A_44] : memref<2x10000xf32, #tpu.memory_space<hbm>> -> memref<1x10000xf32, #tpu.memory_space<hbm>>
    %dma_wait3A_46 = tpu.memref_squeeze %dma_wait3A_45 : memref<1x10000xf32, #tpu.memory_space<hbm>> -> memref<10000xf32, #tpu.memory_space<hbm>>
    %dma_wait3A_47 = arith.constant 0 : i32
    %dma_wait3A_48 = tpu.memref_slice %arg2[%dma_wait3A, %dma_wait3A_47] : memref<2x10000xf32, #tpu.memory_space<hbm>> -> memref<1x10000xf32, #tpu.memory_space<hbm>>
    %dma_wait3A_49 = tpu.memref_squeeze %dma_wait3A_48 : memref<1x10000xf32, #tpu.memory_space<hbm>> -> memref<10000xf32, #tpu.memory_space<hbm>>
    tpu.wait_dma2 semaphore(%arg11 : memref<!tpu.dma_semaphore, #tpu.memory_space<semaphore_mem>>) src(%dma_wait3A_49 : memref<10000xf32, #tpu.memory_space<hbm>>) dst(%arg5 : memref<10000xf32, #tpu.memory_space<vmem>>)
    %dma_wait3A_50 = arith.constant 1 : i32
    %dma_wait3A_51 = arith.constant 0 : i32
    %dma_wait3A_52 = tpu.memref_slice %arg2[%dma_wait3A_50, %dma_wait3A_51] : memref<2x10000xf32, #tpu.memory_space<hbm>> -> memref<1x10000xf32, #tpu.memory_space<hbm>>
    %dma_wait3A_53 = tpu.memref_squeeze %dma_wait3A_52 : memref<1x10000xf32, #tpu.memory_space<hbm>> -> memref<10000xf32, #tpu.memory_space<hbm>>
    %dma_wait3A_54 = arith.constant 0 : i32
    %dma_wait3A_55 = tpu.memref_slice %arg2[%dma_wait3A_50, %dma_wait3A_54] : memref<2x10000xf32, #tpu.memory_space<hbm>> -> memref<1x10000xf32, #tpu.memory_space<hbm>>
    %dma_wait3A_56 = tpu.memref_squeeze %dma_wait3A_55 : memref<1x10000xf32, #tpu.memory_space<hbm>> -> memref<10000xf32, #tpu.memory_space<hbm>>
    tpu.wait_dma2 semaphore(%arg11 : memref<!tpu.dma_semaphore, #tpu.memory_space<semaphore_mem>>) src(%dma_wait3A_56 : memref<10000xf32, #tpu.memory_space<hbm>>) dst(%arg6 : memref<10000xf32, #tpu.memory_space<vmem>>)
    %dma_wait3A_57 = arith.constant 0 : i32
    %dma_wait3A_58 = arith.constant 0 : i32
    %dma_wait3A_59 = tpu.memref_slice %arg7[%dma_wait3A_57, %dma_wait3A_58] : memref<2x19968xi32, #tpu.memory_space<vmem>> -> memref<2x9984xi32, #tpu.memory_space<vmem>>
    %dma_wait3A_60 = arith.constant 0 : i32
    %dma_wait3A_61 = tpu.memref_slice %arg3[%dma_wait3A_60, %mul3A_2] : memref<2x320000xi32, #tpu.memory_space<hbm>> -> memref<2x9984xi32, #tpu.memory_space<hbm>>
    %dma_wait3A_62 = arith.constant 0 : i32
    %dma_wait3A_63 = arith.constant 0 : i32
    %dma_wait3A_64 = tpu.memref_slice %arg7[%dma_wait3A_62, %dma_wait3A_63] : memref<2x19968xi32, #tpu.memory_space<vmem>> -> memref<2x9984xi32, #tpu.memory_space<vmem>>
    %dma_wait3A_65 = arith.constant 0 : i32
    %dma_wait3A_66 = tpu.memref_slice %arg3[%dma_wait3A_65, %mul3A_2] : memref<2x320000xi32, #tpu.memory_space<hbm>> -> memref<2x9984xi32, #tpu.memory_space<hbm>>
    tpu.wait_dma2 semaphore(%arg11 : memref<!tpu.dma_semaphore, #tpu.memory_space<semaphore_mem>>) src(%dma_wait3A_66 : memref<2x9984xi32, #tpu.memory_space<hbm>>) dst(%dma_wait3A_64 : memref<2x9984xi32, #tpu.memory_space<vmem>>)
    %parallel_loop3A = arith.constant 0 : i32
    %parallel_loop3A_67 = arith.constant 9984 : i32
    %parallel_loop3A_68 = arith.constant 16 : i32
    scf.for %parallel_loop3A_125 = %parallel_loop3A to %parallel_loop3A_67 step %parallel_loop3A_68  : i32 {
      %parallel_loop3A_126 = arith.constant 0 : i32
      %parallel_loop3A_127 = arith.index_cast %parallel_loop3A_126 : i32 to index
      %parallel_loop3A_128 = arith.index_cast %parallel_loop3A_125 : i32 to index
      %parallel_loop3A_129 = tpu.vector_load %arg7[%parallel_loop3A_127, %parallel_loop3A_128] {strides = array<i32>} : memref<2x19968xi32, #tpu.memory_space<vmem>>, vector<16xi32>,
      %parallel_loop3A_130 = arith.constant 1 : i32
      %parallel_loop3A_131 = arith.index_cast %parallel_loop3A_130 : i32 to index
      %parallel_loop3A_132 = arith.index_cast %parallel_loop3A_125 : i32 to index
      %parallel_loop3A_133 = tpu.vector_load %arg7[%parallel_loop3A_131, %parallel_loop3A_132] {strides = array<i32>} : memref<2x19968xi32, #tpu.memory_space<vmem>>, vector<16xi32>,
      %parallel_loop3A_134 = tpu.vector_load_idx %arg5[%parallel_loop3A_129] : memref<10000xf32, #tpu.memory_space<vmem>>[vector<16xi32>], vector<16xf32>,
      %parallel_loop3A_135 = tpu.vector_load_idx %arg6[%parallel_loop3A_133] : memref<10000xf32, #tpu.memory_space<vmem>>[vector<16xi32>], vector<16xf32>,
      %parallel_loop3A_136 = arith.addf %parallel_loop3A_134, %parallel_loop3A_135 : vector<16xf32>
      %parallel_loop3A_137 = arith.index_cast %parallel_loop3A_125 : i32 to index
      %parallel_loop3A_138 = tpu.vector_load %arg9[%parallel_loop3A_137] {strides = array<i32>} : memref<19968xf32, #tpu.memory_space<vmem>>, vector<16xf32>,
      tpu.vector_store %arg9[%parallel_loop3A_137], %parallel_loop3A_136 {strides = array<i32>} : memref<19968xf32, #tpu.memory_space<vmem>>, vector<16xf32>,
    } {sc.loop_unroll_factor = 8 : i64, sc.parallel_access}
    %dma_start3A_69 = arith.constant 0 : i32
    %dma_start3A_70 = arith.constant 0 : i32
    %dma_start3A_71 = tpu.memref_slice %arg9[%dma_start3A_70] : memref<19968xf32, #tpu.memory_space<vmem>> -> memref<9984xf32, #tpu.memory_space<vmem>>
    %dma_start3A_72 = tpu.memref_slice %arg4[%dma_start3A_69, %mul3A_2] : memref<1x320000xf32, #tpu.memory_space<hbm>> -> memref<1x9984xf32, #tpu.memory_space<hbm>>
    %dma_start3A_73 = tpu.memref_squeeze %dma_start3A_72 : memref<1x9984xf32, #tpu.memory_space<hbm>> -> memref<9984xf32, #tpu.memory_space<hbm>>
    %dma_start3A_74 = tpu.memref_slice %arg4[%dma_start3A_69, %mul3A_2] : memref<1x320000xf32, #tpu.memory_space<hbm>> -> memref<1x9984xf32, #tpu.memory_space<hbm>>
    %dma_start3A_75 = tpu.memref_squeeze %dma_start3A_74 : memref<1x9984xf32, #tpu.memory_space<hbm>> -> memref<9984xf32, #tpu.memory_space<hbm>>
    %dma_start3A_76 = arith.constant 0 : i32
    %dma_start3A_77 = tpu.memref_slice %arg9[%dma_start3A_76] : memref<19968xf32, #tpu.memory_space<vmem>> -> memref<9984xf32, #tpu.memory_space<vmem>>
    tpu.enqueue_dma source(%dma_start3A_77 : memref<9984xf32, #tpu.memory_space<vmem>>) target(%dma_start3A_75 : memref<9984xf32, #tpu.memory_space<hbm>>) target_semaphore(%arg13 : memref<!tpu.dma_semaphore, #tpu.memory_space<semaphore_mem>>)
    %dma_wait3A_78 = arith.constant 0 : i32
    %dma_wait3A_79 = arith.constant 9984 : i32
    %dma_wait3A_80 = tpu.memref_slice %arg7[%dma_wait3A_78, %dma_wait3A_79] : memref<2x19968xi32, #tpu.memory_space<vmem>> -> memref<2x9984xi32, #tpu.memory_space<vmem>>
    %dma_wait3A_81 = arith.constant 0 : i32
    %dma_wait3A_82 = tpu.memref_slice %arg3[%dma_wait3A_81, %add3A_31] : memref<2x320000xi32, #tpu.memory_space<hbm>> -> memref<2x9984xi32, #tpu.memory_space<hbm>>
    %dma_wait3A_83 = arith.constant 0 : i32
    %dma_wait3A_84 = arith.constant 9984 : i32
    %dma_wait3A_85 = tpu.memref_slice %arg7[%dma_wait3A_83, %dma_wait3A_84] : memref<2x19968xi32, #tpu.memory_space<vmem>> -> memref<2x9984xi32, #tpu.memory_space<vmem>>
    %dma_wait3A_86 = arith.constant 0 : i32
    %dma_wait3A_87 = tpu.memref_slice %arg3[%dma_wait3A_86, %add3A_31] : memref<2x320000xi32, #tpu.memory_space<hbm>> -> memref<2x9984xi32, #tpu.memory_space<hbm>>
    tpu.wait_dma2 semaphore(%arg12 : memref<!tpu.dma_semaphore, #tpu.memory_space<semaphore_mem>>) src(%dma_wait3A_87 : memref<2x9984xi32, #tpu.memory_space<hbm>>) dst(%dma_wait3A_85 : memref<2x9984xi32, #tpu.memory_space<vmem>>)
    %parallel_loop3A_88 = arith.constant 9984 : i32
    %parallel_loop3A_89 = arith.constant 19968 : i32
    %parallel_loop3A_90 = arith.constant 16 : i32
    scf.for %parallel_loop3A_125 = %parallel_loop3A_88 to %parallel_loop3A_89 step %parallel_loop3A_90  : i32 {
      %parallel_loop3A_126 = arith.constant 0 : i32
      %parallel_loop3A_127 = arith.index_cast %parallel_loop3A_126 : i32 to index
      %parallel_loop3A_128 = arith.index_cast %parallel_loop3A_125 : i32 to index
      %parallel_loop3A_129 = tpu.vector_load %arg7[%parallel_loop3A_127, %parallel_loop3A_128] {strides = array<i32>} : memref<2x19968xi32, #tpu.memory_space<vmem>>, vector<16xi32>,
      %parallel_loop3A_130 = arith.constant 1 : i32
      %parallel_loop3A_131 = arith.index_cast %parallel_loop3A_130 : i32 to index
      %parallel_loop3A_132 = arith.index_cast %parallel_loop3A_125 : i32 to index
      %parallel_loop3A_133 = tpu.vector_load %arg7[%parallel_loop3A_131, %parallel_loop3A_132] {strides = array<i32>} : memref<2x19968xi32, #tpu.memory_space<vmem>>, vector<16xi32>,
      %parallel_loop3A_134 = tpu.vector_load_idx %arg5[%parallel_loop3A_129] : memref<10000xf32, #tpu.memory_space<vmem>>[vector<16xi32>], vector<16xf32>,
      %parallel_loop3A_135 = tpu.vector_load_idx %arg6[%parallel_loop3A_133] : memref<10000xf32, #tpu.memory_space<vmem>>[vector<16xi32>], vector<16xf32>,
      %parallel_loop3A_136 = arith.addf %parallel_loop3A_134, %parallel_loop3A_135 : vector<16xf32>
      %parallel_loop3A_137 = arith.index_cast %parallel_loop3A_125 : i32 to index
      %parallel_loop3A_138 = tpu.vector_load %arg9[%parallel_loop3A_137] {strides = array<i32>} : memref<19968xf32, #tpu.memory_space<vmem>>, vector<16xf32>,
      tpu.vector_store %arg9[%parallel_loop3A_137], %parallel_loop3A_136 {strides = array<i32>} : memref<19968xf32, #tpu.memory_space<vmem>>, vector<16xf32>,
    } {sc.loop_unroll_factor = 8 : i64, sc.parallel_access}
    %add3A_91 = arith.constant 9984 : i32
    %add3A_92 = arith.addi %mul3A_2, %add3A_91 : i32
    %dma_start3A_93 = arith.constant 0 : i32
    %dma_start3A_94 = arith.constant 9984 : i32
    %dma_start3A_95 = tpu.memref_slice %arg9[%dma_start3A_94] : memref<19968xf32, #tpu.memory_space<vmem>> -> memref<9984xf32, #tpu.memory_space<vmem>>
    %dma_start3A_96 = tpu.memref_slice %arg4[%dma_start3A_93, %add3A_92] : memref<1x320000xf32, #tpu.memory_space<hbm>> -> memref<1x9984xf32, #tpu.memory_space<hbm>>
    %dma_start3A_97 = tpu.memref_squeeze %dma_start3A_96 : memref<1x9984xf32, #tpu.memory_space<hbm>> -> memref<9984xf32, #tpu.memory_space<hbm>>
    %dma_start3A_98 = tpu.memref_slice %arg4[%dma_start3A_93, %add3A_92] : memref<1x320000xf32, #tpu.memory_space<hbm>> -> memref<1x9984xf32, #tpu.memory_space<hbm>>
    %dma_start3A_99 = tpu.memref_squeeze %dma_start3A_98 : memref<1x9984xf32, #tpu.memory_space<hbm>> -> memref<9984xf32, #tpu.memory_space<hbm>>
    %dma_start3A_100 = arith.constant 9984 : i32
    %dma_start3A_101 = tpu.memref_slice %arg9[%dma_start3A_100] : memref<19968xf32, #tpu.memory_space<vmem>> -> memref<9984xf32, #tpu.memory_space<vmem>>
    tpu.enqueue_dma source(%dma_start3A_101 : memref<9984xf32, #tpu.memory_space<vmem>>) target(%dma_start3A_99 : memref<9984xf32, #tpu.memory_space<hbm>>) target_semaphore(%arg13 : memref<!tpu.dma_semaphore, #tpu.memory_space<semaphore_mem>>)
    %lt3A_102 = arith.constant 4 : i32
    %lt3A_103 = arith.cmpi slt, %add3A, %lt3A_102 : i32
    %convert_element_type3A_104 = arith.extui %lt3A_103 : i1 to i32
    %cond3A_105 = arith.constant 0 : i32
    %cond3A_106 = arith.cmpi ne, %convert_element_type3A_104, %cond3A_105 : i32
    scf.if %cond3A_106 {
      %dma_wait3A_125 = arith.constant 0 : i32
      %dma_wait3A_126 = tpu.memref_slice %arg3[%dma_wait3A_125, %add3A_6] : memref<2x320000xi32, #tpu.memory_space<hbm>> -> memref<2x128xi32, #tpu.memory_space<hbm>>
      %dma_wait3A_127 = arith.constant 0 : i32
      %dma_wait3A_128 = tpu.memref_slice %arg3[%dma_wait3A_127, %add3A_6] : memref<2x320000xi32, #tpu.memory_space<hbm>> -> memref<2x128xi32, #tpu.memory_space<hbm>>
      tpu.wait_dma2 semaphore(%arg12 : memref<!tpu.dma_semaphore, #tpu.memory_space<semaphore_mem>>) src(%dma_wait3A_128 : memref<2x128xi32, #tpu.memory_space<hbm>>) dst(%arg8 : memref<2x128xi32, #tpu.memory_space<vmem>>)
      %parallel_loop3A_129 = arith.constant 0 : i32
      %parallel_loop3A_130 = arith.constant 128 : i32
      %parallel_loop3A_131 = arith.constant 16 : i32
      scf.for %parallel_loop3A_132 = %parallel_loop3A_129 to %parallel_loop3A_130 step %parallel_loop3A_131  : i32 {
        %parallel_loop3A_133 = arith.constant 0 : i32
        %parallel_loop3A_134 = arith.index_cast %parallel_loop3A_133 : i32 to index
        %parallel_loop3A_135 = arith.index_cast %parallel_loop3A_132 : i32 to index
        %parallel_loop3A_136 = tpu.vector_load %arg8[%parallel_loop3A_134, %parallel_loop3A_135] {strides = array<i32>} : memref<2x128xi32, #tpu.memory_space<vmem>>, vector<16xi32>,
        %parallel_loop3A_137 = arith.constant 1 : i32
        %parallel_loop3A_138 = arith.index_cast %parallel_loop3A_137 : i32 to index
        %parallel_loop3A_139 = arith.index_cast %parallel_loop3A_132 : i32 to index
        %parallel_loop3A_140 = tpu.vector_load %arg8[%parallel_loop3A_138, %parallel_loop3A_139] {strides = array<i32>} : memref<2x128xi32, #tpu.memory_space<vmem>>, vector<16xi32>,
        %parallel_loop3A_141 = tpu.vector_load_idx %arg5[%parallel_loop3A_136] : memref<10000xf32, #tpu.memory_space<vmem>>[vector<16xi32>], vector<16xf32>,
        %parallel_loop3A_142 = tpu.vector_load_idx %arg6[%parallel_loop3A_140] : memref<10000xf32, #tpu.memory_space<vmem>>[vector<16xi32>], vector<16xf32>,
        %parallel_loop3A_143 = arith.addf %parallel_loop3A_141, %parallel_loop3A_142 : vector<16xf32>
        %parallel_loop3A_144 = arith.index_cast %parallel_loop3A_132 : i32 to index
        %parallel_loop3A_145 = tpu.vector_load %arg10[%parallel_loop3A_144] {strides = array<i32>} : memref<128xf32, #tpu.memory_space<vmem>>, vector<16xf32>,
        tpu.vector_store %arg10[%parallel_loop3A_144], %parallel_loop3A_143 {strides = array<i32>} : memref<128xf32, #tpu.memory_space<vmem>>, vector<16xf32>,
      } {sc.loop_unroll_factor = 8 : i64, sc.parallel_access}
      %run_scoped3A = arith.constant 0 : i32
      "tpu.region"() ({
        %run_scoped3A_132 = tpu.sem_alloc : memref<!tpu.dma_semaphore, #tpu.memory_space<semaphore_mem>>
        %dma_start3A_133 = tpu.memref_slice %arg4[%run_scoped3A, %add3A_6] : memref<1x320000xf32, #tpu.memory_space<hbm>> -> memref<1x128xf32, #tpu.memory_space<hbm>>
        %dma_start3A_134 = tpu.memref_squeeze %dma_start3A_133 : memref<1x128xf32, #tpu.memory_space<hbm>> -> memref<128xf32, #tpu.memory_space<hbm>>
        %dma_start3A_135 = tpu.memref_slice %arg4[%run_scoped3A, %add3A_6] : memref<1x320000xf32, #tpu.memory_space<hbm>> -> memref<1x128xf32, #tpu.memory_space<hbm>>
        %dma_start3A_136 = tpu.memref_squeeze %dma_start3A_135 : memref<1x128xf32, #tpu.memory_space<hbm>> -> memref<128xf32, #tpu.memory_space<hbm>>
        tpu.enqueue_dma source(%arg10 : memref<128xf32, #tpu.memory_space<vmem>>) target(%dma_start3A_136 : memref<128xf32, #tpu.memory_space<hbm>>) target_semaphore(%run_scoped3A_132 : memref<!tpu.dma_semaphore, #tpu.memory_space<semaphore_mem>>)
        %dma_wait3A_137 = tpu.memref_slice %arg4[%run_scoped3A, %add3A_6] : memref<1x320000xf32, #tpu.memory_space<hbm>> -> memref<1x128xf32, #tpu.memory_space<hbm>>
        %dma_wait3A_138 = tpu.memref_squeeze %dma_wait3A_137 : memref<1x128xf32, #tpu.memory_space<hbm>> -> memref<128xf32, #tpu.memory_space<hbm>>
        %dma_wait3A_139 = tpu.memref_slice %arg4[%run_scoped3A, %add3A_6] : memref<1x320000xf32, #tpu.memory_space<hbm>> -> memref<1x128xf32, #tpu.memory_space<hbm>>
        %dma_wait3A_140 = tpu.memref_squeeze %dma_wait3A_139 : memref<1x128xf32, #tpu.memory_space<hbm>> -> memref<128xf32, #tpu.memory_space<hbm>>
        tpu.wait_dma2 semaphore(%run_scoped3A_132 : memref<!tpu.dma_semaphore, #tpu.memory_space<semaphore_mem>>) src(%arg10 : memref<128xf32, #tpu.memory_space<vmem>>) dst(%dma_wait3A_140 : memref<128xf32, #tpu.memory_space<hbm>>)
        tpu.yield
      }) : () -> ()
    } else {
    }
    %dma_wait3A_107 = arith.constant 0 : i32
    %dma_wait3A_108 = arith.constant 0 : i32
    %dma_wait3A_109 = tpu.memref_slice %arg9[%dma_wait3A_108] : memref<19968xf32, #tpu.memory_space<vmem>> -> memref<9984xf32, #tpu.memory_space<vmem>>
    %dma_wait3A_110 = tpu.memref_slice %arg4[%dma_wait3A_107, %mul3A_2] : memref<1x320000xf32, #tpu.memory_space<hbm>> -> memref<1x9984xf32, #tpu.memory_space<hbm>>
    %dma_wait3A_111 = tpu.memref_squeeze %dma_wait3A_110 : memref<1x9984xf32, #tpu.memory_space<hbm>> -> memref<9984xf32, #tpu.memory_space<hbm>>
    %dma_wait3A_112 = tpu.memref_slice %arg4[%dma_wait3A_107, %mul3A_2] : memref<1x320000xf32, #tpu.memory_space<hbm>> -> memref<1x9984xf32, #tpu.memory_space<hbm>>
    %dma_wait3A_113 = tpu.memref_squeeze %dma_wait3A_112 : memref<1x9984xf32, #tpu.memory_space<hbm>> -> memref<9984xf32, #tpu.memory_space<hbm>>
    %dma_wait3A_114 = arith.constant 0 : i32
    %dma_wait3A_115 = tpu.memref_slice %arg9[%dma_wait3A_114] : memref<19968xf32, #tpu.memory_space<vmem>> -> memref<9984xf32, #tpu.memory_space<vmem>>
    tpu.wait_dma2 semaphore(%arg13 : memref<!tpu.dma_semaphore, #tpu.memory_space<semaphore_mem>>) src(%dma_wait3A_115 : memref<9984xf32, #tpu.memory_space<vmem>>) dst(%dma_wait3A_113 : memref<9984xf32, #tpu.memory_space<hbm>>)
    %dma_wait3A_116 = arith.constant 0 : i32
    %dma_wait3A_117 = arith.constant 9984 : i32
    %dma_wait3A_118 = tpu.memref_slice %arg9[%dma_wait3A_117] : memref<19968xf32, #tpu.memory_space<vmem>> -> memref<9984xf32, #tpu.memory_space<vmem>>
    %dma_wait3A_119 = tpu.memref_slice %arg4[%dma_wait3A_116, %add3A_92] : memref<1x320000xf32, #tpu.memory_space<hbm>> -> memref<1x9984xf32, #tpu.memory_space<hbm>>
    %dma_wait3A_120 = tpu.memref_squeeze %dma_wait3A_119 : memref<1x9984xf32, #tpu.memory_space<hbm>> -> memref<9984xf32, #tpu.memory_space<hbm>>
    %dma_wait3A_121 = tpu.memref_slice %arg4[%dma_wait3A_116, %add3A_92] : memref<1x320000xf32, #tpu.memory_space<hbm>> -> memref<1x9984xf32, #tpu.memory_space<hbm>>
    %dma_wait3A_122 = tpu.memref_squeeze %dma_wait3A_121 : memref<1x9984xf32, #tpu.memory_space<hbm>> -> memref<9984xf32, #tpu.memory_space<hbm>>
    %dma_wait3A_123 = arith.constant 9984 : i32
    %dma_wait3A_124 = tpu.memref_slice %arg9[%dma_wait3A_123] : memref<19968xf32, #tpu.memory_space<vmem>> -> memref<9984xf32, #tpu.memory_space<vmem>>
    tpu.wait_dma2 semaphore(%arg13 : memref<!tpu.dma_semaphore, #tpu.memory_space<semaphore_mem>>) src(%dma_wait3A_124 : memref<9984xf32, #tpu.memory_space<vmem>>) dst(%dma_wait3A_122 : memref<9984xf32, #tpu.memory_space<hbm>>)
    return
  }
}

module attributes {stable_mosaic.version = 14 : i64} {
  func.func @_tc_node_scores(%arg0: memref<1x1xf32, #tpu.memory_space<smem>>, %arg1: memref<2x128xf32, #tpu.memory_space<vmem>>, %arg2: memref<10000x128xf32, #tpu.memory_space<vmem>>, %arg3: memref<2x10000xf32, #tpu.memory_space<vmem>>) attributes {dimension_semantics = [], scalar_prefetch = 0 : i64, scratch_operands = 0 : i64, tpu.core_type = #tpu.core_type<tc>} {
    %iota3A = tpu.iota {dimensions = array<i32: 0>} : vector<2x10000xi32>
    %eq3A = arith.constant 1 : i32
    %eq3A_0 = vector.broadcast %eq3A : i32 to vector<2x10000xi32>
    %eq3A_1 = arith.cmpi eq, %iota3A, %eq3A_0 : vector<2x10000xi32>
    %get3A = arith.constant 0 : index
    %get3A_2 = arith.constant 0 : index
    %get3A_3 = memref.load %arg0[%get3A, %get3A_2] : memref<1x1xf32, #tpu.memory_space<smem>>
    %jit3A = arith.constant 0.000000e+00 : f32
    %broadcast_in_dim3A = vector.broadcast %get3A_3 : f32 to vector<2x10000xf32>
    %broadcast_in_dim3A_4 = vector.broadcast %jit3A : f32 to vector<2x10000xf32>
    %select_n3A = arith.select %eq3A_1, %broadcast_in_dim3A, %broadcast_in_dim3A_4 : vector<2x10000xi1>, vector<2x10000xf32>
    %get3A_5 = arith.constant 0 : index
    %get3A_6 = arith.constant 0 : index
    %get3A_7 = vector.load %arg1[%get3A_5, %get3A_6] : memref<2x128xf32, #tpu.memory_space<vmem>>, vector<2x128xf32>
    %get3A_8 = arith.constant 0 : index
    %get3A_9 = arith.constant 0 : index
    %get3A_10 = vector.load %arg2[%get3A_8, %get3A_9] : memref<10000x128xf32, #tpu.memory_space<vmem>>, vector<10000x128xf32>
    %dot_general3A = arith.constant dense<0.000000e+00> : vector<2x10000xf32>
    %dot_general3A_11 = tpu.matmul %get3A_7, %get3A_10, %dot_general3A {dimension_numbers = #tpu.dot_dimension_numbers<[1], [1], [0], [0], [0, 0, 1, 0], [], []>, transpose_lhs_hint = false} : vector<2x128xf32>, vector<10000x128xf32>, vector<2x10000xf32> -> vector<2x10000xf32>
    %add3A = arith.addf %dot_general3A_11, %select_n3A : vector<2x10000xf32>
    %swap3A = arith.constant 0 : index
    %swap3A_12 = arith.constant 0 : index
    %swap3A_13 = vector.load %arg3[%swap3A, %swap3A_12] : memref<2x10000xf32, #tpu.memory_space<vmem>>, vector<2x10000xf32>
    tpu.vector_store %arg3[%swap3A, %swap3A_12], %add3A {strides = array<i32>} : memref<2x10000xf32, #tpu.memory_space<vmem>>, vector<2x10000xf32>,
    return
  }
}

</mosaic_0001>

<sc_bundles>
// kernel: kernel.4.cloned.1.call-start
scs
__scs_entry_jumppad:
0x0: {  	(pc) =	sbr.rel $0x88, $3  }
0x1: {  	(tag) =	ssettag $0x0;
	lr =	simm.s32 $0x1  }
0x2: {  	[smem:$0x3F9D] =	sst lr;
	_ =	strace $0xD0000000  }
0x3: {  	_ = 	snop  }
0x4: {  	_ = 	snop  }
0x5: {  	_ = 	snop  }
0x6: {  	_ = 	snop  }
0x7: {  	_ = 	snop  }
__scs_overlays_trampoline_lowered:
0x8: {  	[smem:$0x3FAC] =	sst s0  }
0x9: {  	[smem:$0x3FAD] =	sst s1  }
0xa: {  	[smem:$0x3FAE] =	sst s2  }
0xb: {  	[smem:$0x3FAF] =	sst s3  }
0xc: {  	[smem:$0x3FB0] =	sst s4  }
0xd: {  	[smem:$0x3FB1] =	sst s5  }
0xe: {  	[smem:$0x3FB2] =	sst s6  }
0xf: {  	[smem:$0x3FB3] =	sst s7  }
0x10: {  	[smem:$0x3FB4] =	sst s8  }
0x11: {  	[smem:$0x3FB5] =	sst s9;
	s0 =	simm.s32 @!p0 $0x0  }
0x12: {  	s1 =	sld [smem:$0x3F9B];
	s0 =	simm.s32 @p0 $0x1  }
0x13: {  	[smem:$0x3FB6] =	sst s0;
	s0 =	simm.s32 @!p1 $0x0  }
0x14: {  	s2 =	sld [smem:$0x3F9A];
	s0 =	simm.s32 @p1 $0x1  }
0x15: {  	[smem:$0x3FB7] =	sst s0;
	s0 =	simm.s32 @!p2 $0x0  }
0x16: {  	s3 =	sld [smem:$0x3FDB];
	s0 =	simm.s32 @p2 $0x1  }
0x17: {  	s4 =	simm.s32 $0x1BF5;
	[smem:$0x3FB9] =	sst s0  }
0x18: {  	s0 =	sld [smem:$0x3F9C];
	_ =	swait.ge [sflag:s4], $0x0  }
0x19: {  	s7 =	sld [smem:$0x3F9D]  }
0x1a: {  	s8 =	sadd.s32 $0xFFFFE003, lr  }
0x1b: {  	s9 =	sadd.s32 $0xFFFFFEF7, lr;
	s5 =	simm.s32 $0xFFFFFFFF;
	p2 =	slt.u32 s8, $0xFFFFF086  }
0x1c: {  	p1 =	slt.u32 s9, $0xF7A;
	s5 =	simm.s32 @!p2 $0x0  }
0x1d: {  	s5 =	simm.s32 @p1 $0x1;
	p0 =	seq.s32 s7, s2  }
0x1e: {  	s7 =	smul.u32 @!p0 $0xF7A, s2;
	p2 =	seq.s32 @!p0 s5, $0x0  }
0x1f: {  	s9 =	smul.u32 $0xF7A, s1;
	s8 =	simm.s32 @!p0 $0x1BF5;
	p2 =	por !p2, p0  }
0x20: {  	[sflag:s8] =	ssyncset.s32 @!p0 $0xFFFFF086;
	s6 =	sadd.s32 @!p0 s3, s7;
	s7 =	simm.s32 @!p0 $0x108  }
0x21: {  	s3 =	sadd.s32 s3, s9;
	s6 =	sadd.s32 @!p0 $0x88, s6;
	s7 =	simm.s32 @p2 $0x1082  }
0x22: {  	[simem:s7], [sflag:s8] =	dma.local @!p0 [hbm:s6], $0xF7A  }
0x23: {  	s9 =	sor.u32 $0xD0000000, s2;
	s6 =	simm.s32 $0x108;
	_ =	swait.ge @!p0 [sflag:s8], $0x0  }
0x24: {  	s3 =	sadd.s32 $0x88, s3;
	s6 =	simm.s32 @!p1 $0x1082;
	[sflag:s4] =	ssyncset.s32 $0xFFFFF086  }
0x25: {  	[simem:s6], [sflag:s4] =	dma.local [hbm:s3], $0xF7A  }
0x26: {  	[smem:$0x3F9D] =	sst s1;
	(tag) =	ssettag s2;
	_ =	strace s9  }
0x27: {  	s1 =	sld [smem:$0x3FAD]  }
0x28: {  	s2 =	sld [smem:$0x3FAE]  }
0x29: {  	s4 =	sld [smem:$0x3FB0]  }
0x2a: {  	p0 =	seq.s32 s5, $0x0;
	s5 =	sld [smem:$0x3FB1]  }
0x2b: {  	s6 =	sld [smem:$0x3FB2]  }
0x2c: {  	s7 =	sld [smem:$0x3FB3]  }
0x2d: {  	s3 =	simm.s32 $0x108;
	s8 =	sld [smem:$0x3FB4]  }
0x2e: {  	s3 =	simm.s32 @!p0 $0x1082;
	s9 =	sld [smem:$0x3FB5]  }
0x2f: {  	lr =	sadd.s32 s0, s3;
	s0 =	sld [smem:$0x3FAC]  }
0x30: {  	s3 =	sld [smem:$0x3FAF]  }
0x31: {  	[smem:$0x3FB8] =	sst s10  }
0x32: {  	s10 =	sld [smem:$0x3FB6];
	_ =	sdelay $0x3  }
0x33: {  	p0 =	seq.s32 s10, $0x1;
	s10 =	sld [smem:$0x3FB8];
	_ =	sdelay $0x3  }
0x34: {  	[smem:$0x3FB8] =	sst s10  }
0x35: {  	s10 =	sld [smem:$0x3FB7];
	_ =	sdelay $0x3  }
0x36: {  	p1 =	seq.s32 s10, $0x1;
	s10 =	sld [smem:$0x3FB8];
	_ =	sdelay $0x3  }
0x37: {  	[smem:$0x3FB8] =	sst s10  }
0x38: {  	s10 =	sld [smem:$0x3FB9]  }
0x39: {  	_ = 	snop;
	(pc) =	sbr.ind lr, $3  }
0x3a: {  	_ = 	snop  }
0x3b: {  	_ = 	snop  }
0x3c: {  	p2 =	seq.s32 s10, $0x1;
	s10 =	sld [smem:$0x3FB8]  }
0x3d: {  	_ =	shalt  }
0x3e: {  	_ =	shalt  }
0x3f: {  	_ =	shalt  }
0x40: {  	_ =	shalt  }
0x41: {  	_ =	shalt  }
0x42: {  	_ =	shalt  }
0x43: {  	_ =	shalt  }
0x44: {  	_ =	shalt  }
0x45: {  	_ =	shalt  }
0x46: {  	_ =	shalt  }
0x47: {  	_ =	shalt  }
0x48: {  	_ =	shalt  }
0x49: {  	_ =	shalt  }
0x4a: {  	_ =	shalt  }
0x4b: {  	_ =	shalt  }
0x4c: {  	_ =	shalt  }
0x4d: {  	_ =	shalt  }
0x4e: {  	_ =	shalt  }
0x4f: {  	_ =	shalt  }
0x50: {  	_ =	shalt  }
0x51: {  	_ =	shalt  }
0x52: {  	_ =	shalt  }
0x53: {  	_ =	shalt  }
0x54: {  	_ =	shalt  }
0x55: {  	_ =	shalt  }
0x56: {  	_ =	shalt  }
0x57: {  	_ =	shalt  }
0x58: {  	_ =	shalt  }
0x59: {  	_ =	shalt  }
0x5a: {  	_ =	shalt  }
0x5b: {  	_ =	shalt  }
0x5c: {  	_ =	shalt  }
0x5d: {  	_ =	shalt  }
0x5e: {  	_ =	shalt  }
0x5f: {  	_ =	shalt  }
0x60: {  	_ =	shalt  }
0x61: {  	_ =	shalt  }
0x62: {  	_ =	shalt  }
0x63: {  	_ =	shalt  }
0x64: {  	_ =	shalt  }
0x65: {  	_ =	shalt  }
0x66: {  	_ =	shalt  }
0x67: {  	_ =	shalt  }
0x68: {  	_ =	shalt  }
0x69: {  	_ =	shalt  }
0x6a: {  	_ =	shalt  }
0x6b: {  	_ =	shalt  }
0x6c: {  	_ =	shalt  }
0x6d: {  	_ =	shalt  }
0x6e: {  	_ =	shalt  }
0x6f: {  	_ =	shalt  }
0x70: {  	_ =	shalt  }
0x71: {  	_ =	shalt  }
0x72: {  	_ =	shalt  }
0x73: {  	_ =	shalt  }
0x74: {  	_ =	shalt  }
0x75: {  	_ =	shalt  }
0x76: {  	_ =	shalt  }
0x77: {  	_ =	shalt  }
0x78: {  	_ =	shalt  }
0x79: {  	_ =	shalt  }
0x7a: {  	_ =	shalt  }
0x7b: {  	_ =	shalt  }
0x7c: {  	_ =	shalt  }
0x7d: {  	_ =	shalt  }
0x7e: {  	_ =	shalt  }
0x7f: {  	_ =	shalt  }
0x80: {  	_ =	shalt  }
0x81: {  	_ =	shalt  }
0x82: {  	_ =	shalt  }
0x83: {  	_ =	shalt  }
0x84: {  	_ =	shalt  }
0x85: {  	_ =	shalt  }
0x86: {  	_ =	shalt  }
0x87: {  	_ =	shalt  }
.Lfunc_end0:
.L_simem_size_0:
called_computation_lowered:
.L_overlay_start_0:
0x88: {  	s0 =	sld [smem:$0x3FD9]  }
0x89: {  	s1 =	sld [smem:$0x3FFE];
	_ =	sdelay $0x3  }
0x8a: {  	s0 =	sadd.s32 s1, s0  }
0x8b: {  	[smem:$0x3FC4] =	sst s0  }
0x8c: {  	_ = 	snop  }
0x8d: {  	s0 =	sld [smem:$0x3FC8]  }
0x8e: {  	s16 =	sld [smem:$0x3FD0];
	(tm) =	ssettm $0x1  }
0x8f: {  	s2 =	sld [smem:$0x3FFB];
	_ =	sdelay $0x3  }
0x90: {  	_ =	strace s2  }
0x91: {  	s2 =	sld [smem:$0x3FFC];
	_ =	sdelay $0x3  }
0x92: {  	_ =	strace s2  }
0x93: {  	s2 =	sld [smem:$0x3FFD];
	_ =	sdelay $0x3  }
0x94: {  	_ =	strace s2  }
0x95: {  	_ =	strace $0x8FFFFFFF  }
0x96: {  	s17 =	sld [smem:$0x3FDB];
	_ =	sdelay $0x1  }
0x97: {  	s3 =	simm.s32 $_scs_section_size  }
0x98: {  	s4 =	simm.s32 $_size__tile_overlayer_lowered;
	s5 =	simm.s32 $_tile_overlayer_lowered  }
0x99: {  	s20 =	simm.s32 $0x1BFF;
	s19 =	sshll.u32 s5, $0x1;
	s2 =	sadd.s32 s3, s17  }
0x9a: {  	s6 =	simm.s32 $0x0;
	s18 =	sshll.u32 s4, $0x1;
	s4 =	sadd.s32 s19, s2  }
0x9b: {  	[timem:s6], [sflag:s20] =	dma.local [hbm:s4], s18  }
0x9c: {  	_ =	swait.ge [sflag:s20], s18  }
0x9d: {  	s3 =	ssub.s32 $0x0, s18;
	[sflag:s20] =	ssyncset.done $0x0  }
0x9e: {  	[sflag:s20] =	ssyncadd.s32 s3;
	_ =	sdelay $0x1  }
0x9f: {  	s21 =	simm.s32 $0x1B8B  }
0xa0: {  	_ =	swait.ge [sflag:s21], $0x1  }
0xa1: {  	[sflag:s21] =	ssyncset.done $0x0  }
0xa2: {  	s23 =	simm.s32 $0x1B8E;
	s22 =	sld [smem:$0x3FFE];
	[sflag:s21] =	ssyncadd.s32 $0xFFFFFFFF  }
0xa3: {  	s24 =	simm.s32 $execute0_lowered;
	[smem:$0x3FD2] =	sst s23  }
0xa4: {  	s4 =	sshll.u32 s24, $0x1;
	_ =	strace $0x80000046;
	[dreg:$0x1] =	wrdreg $0xFFFFFFFF  }
0xa5: {  	s25 =	simm.s32 $_size_execute0_lowered;
	s2 =	sadd.s32 s2, s4;
	[dreg:$0x0] =	wrdreg $0x0  }
0xa6: {  	s4 =	sshll.u32 s25, $0x1;
	[dreg:$0x2] =	wrdreg s2  }
0xa7: {  	[dreg:$0x3] =	wrdreg s4  }
0xa8: {  	[dreg:$0x4] =	wrdreg $0xC0  }
0xa9: {  	_ =	task [dreg:s6], $0x5FFFF  }
0xaa: {  	[dreg:$0x1] =	wrdreg $0xFFFFFFFF  }
0xab: {  	[dreg:$0x0] =	wrdreg $0x60  }
0xac: {  	[dreg:$0x2] =	wrdreg s22  }
0xad: {  	[dreg:$0x3] =	wrdreg s0  }
0xae: {  	[dreg:$0x4] =	wrdreg s16  }
0xaf: {  	[dreg:$0x5] =	wrdreg $0x9  }
0xb0: {  	_ =	task.clear_ibuf [dreg:s6], $0x6FFFF;
	_ =	strace $0x90000046  }
0xb1: {  	s26 =	simm.s32 $0x9;
	_ =	strace $0x80000048  }
0xb2: {  	_ =	swait.ge [sflag:s26], $0x1  }
0xb3: {  	[sflag:s26] =	ssyncadd.s32 $0xFFFFFFFF  }
0xb4: {  	_ =	strace $0x90000048  }
0xb5: {  	_ =	sfence  }
0xb6: {  	s28 =	sld [smem:$0x0];
	_ =	sdelay $0x1  }
0xb7: {  	s29 =	srdreg.scid  }
0xb8: {  	s30 =	sshll.u32 s29, $0xD;
	s31 =	sshrl.u32 s29, $0x2  }
0xb9: {  	s1 =	sand.u32 $0x1, s29;
	s2 =	sand.u32 $0x4000, s30;
	s0 =	sadd.s32 s31, s28  }
0xba: {  	s1 =	sor.u32 s2, s1;
	s0 =	sshll.u32 s0, $0x11  }
0xbb: {  	s0 =	sor.u32 s0, s1  }
0xbc: {  	s0 =	sadd.s32 $0x8F2B, s0  }
0xbd: {  	[sflag:s0] =	ssyncadd.remote.s32 $0x1  }
0xbe: {  	_ =	sfence.sel $0xFFFF  }
0xbf: {  	[dreg:$0x0] =	wrdreg $0xFFFFFFFF;
	(pc) =	sbr.abs _section_cstart, $3  }
0xc0: {  	[dreg:$0x1] =	wrdreg $0xFFFFFFFF  }
0xc1: {  	_ =	task.clear_ibuf [dreg:s6], $0x2FFFF;
	_ =	strace $0x9FFFFFFF  }
0xc2: {  	(tm) =	ssettm $0x7FFFFFFF  }
0xc3: {  	_ =	shalt  }
tec
execute0_lowered:
.L_overlay_start_1:
0x0: {  	(tag) =	ssettag $0x1  }
0x1: {  	s5 =	rddreg [dreg:$0x0]  }
0x2: {  	s6 =	rddreg [dreg:$0x1]  }
0x3: {  	s2 =	rddreg [dreg:$0x2]  }
0x4: {  	s0 =	rddreg [dreg:$0x3];
	s4 =	simm.s32 $0x0  }
0x5: {  	s1 =	stileid.u32;
	s10 =	simm.s32 $0x80;
	s11 =	simm.s32 $0x100  }
0x6: {  	s25 =	simm.s32 $0x4F00;
	s28 =	simm.s32 $0x9D00;
	[smem:$0x7FF] =	sst s4  }
0x7: {  	s7 =	sshll.u32 s1, $0x7;
	s9 =	sadd.s32 $0xA00, s5;
	s3 =	smul.u32 $0x4E00, s1  }
0x8: {  	s21 =	sadd.s32 $0xA10, s5;
	s22 =	smul.u32 $0x1380, s1;
	_ =	strace $0x80000047  }
0x9: {  	[tilespmem:s4], [sflag:$0x1] =	stream.strided.gather [hbm4b:s9+s10], $0x2780, s11, s10, $0x38;
	[tilespmem:$0x13A80] =	vst v63  }
0xa: {  	s5 =	simm.s32 $0x2780;
	p0 =	sgt.u32 s1, $0x3;
	s12 =	sadd.s32 $0x2700, s3  }
0xb: {  	[tilespmem:s5], [sflag:$0x1] =	stream.strided.gather [hbm4b:s21+s10], $0x2780, s11, s10, $0x38;
	[tilespmem:$0x13A80] =	vst v63  }
0xc: {  	s8 =	sor.u32 $0x4E000, s7;
	s23 =	sadd.s32 s6, s22;
	s24 =	sshrl.u32 s12, $0x2  }
0xd: {  	[tilespmem:s25], [sflag:$0x1] =	stream.linear.gather [hbm4b:s23+s4], $0x4E00, $0x38;
	[tilespmem:$0x13A80] =	vst v63  }
0xe: {  	s29 =	simm.s32 $0x1;
	s7 =	sshrl.u32 @!p0 s8, $0x2;
	s26 =	sadd.s32 s6, s24  }
0xf: {  	[tilespmem:s28], [sflag:$0x2] =	stream.linear.gather [hbm4b:s26+s4], $0x4E00, $0x38;
	[tilespmem:$0x13A80] =	vst v63  }
0x10: {  	s9 =	simm.s32 @!p0 $0xEB00;
	s6 =	sadd.s32 @!p0 s6, s7;
	s7 =	simm.s32 @!p0 $0x0  }
0x11: {  	[tilespmem:s9], [sflag:$0x2] =	stream.linear.gather @!p0 [hbm4b:s6+s7], $0x100, $0x38;
	[tilespmem:$0x13A80] =	vst v63  }
0x12: {  	_ =	swait.ge [sflag:s29], $0x2780  }
0x13: {  	[sflag:s29] =	ssyncset.done $0x0  }
0x14: {  	[sflag:s29] =	ssyncadd.s32 $0xFFFFD880  }
0x15: {  	_ =	swait.ge [sflag:s29], $0x2780  }
0x16: {  	[sflag:s29] =	ssyncset.done $0x0  }
0x17: {  	[sflag:s29] =	ssyncadd.s32 $0xFFFFD880  }
0x18: {  	_ =	swait.ge [sflag:s29], $0x4E00  }
0x19: {  	[sflag:s29] =	ssyncset.done $0x0  }
0x1a: {  	s30 =	simm.s32 $0x4F80;
	[sflag:s29] =	ssyncadd.s32 $0xFFFFB200  }
0x1b: {  	v0 =	vld [tilespmem:s30+$0xFFFFFFF0]  }
0x1c: {  	v1 =	vld [tilespmem:s30+$0x70]  }
0x1d: {  	v2 =	vld [tilespmem:s30+$0x0]  }
0x1e: {  	v3 =	vld [tilespmem:s30+$0xFFFFFF90]  }
0x1f: {  	v4 =	vld [tilespmem:s30+$0x10]  }
0x20: {  	v5 =	vld [tilespmem:s30+$0xFFFFFFA0]  }
0x21: {  	v6 =	vld [tilespmem:s30+$0x20]  }
0x22: {  	v7 =	vld [tilespmem:s30+$0xFFFFFFB0]  }
0x23: {  	v9 =	vld [tilespmem:s30+$0xFFFFFFC0]  }
0x24: {  	v10 =	vld [tilespmem:s30+$0x40]  }
0x25: {  	v11 =	vld [tilespmem:s30+$0xFFFFFFD0]  }
0x26: {  	v12 =	vld [tilespmem:s30+$0x50]  }
0x27: {  	v13 =	vld [tilespmem:s30+$0xFFFFFFE0]  }
0x28: {  	v14 =	vld [tilespmem:s30+$0x60]  }
0x29: {  	v15 =	vld [tilespmem:s30+$0xFFFFFF80]  }
0x2a: {  	v8 =	vld.idx.msk [tilespmem:v0+s4+$0x0], $0xffff  }
0x2b: {  	v1 =	vld.idx.msk [tilespmem:v1+s5+$0x0], $0xffff  }
0x2c: {  	v0 =	vld [tilespmem:s30+$0x30]  }
0x2d: {  	v16 =	vld.idx.msk [tilespmem:v2+s5+$0x0], $0xffff  }
0x2e: {  	v3 =	vld.idx.msk [tilespmem:v3+s4+$0x0], $0xffff  }
0x2f: {  	v4 =	vld.idx.msk [tilespmem:v4+s5+$0x0], $0xffff  }
0x30: {  	v5 =	vld.idx.msk [tilespmem:v5+s4+$0x0], $0xffff  }
0x31: {  	v6 =	vld.idx.msk [tilespmem:v6+s5+$0x0], $0xffff  }
0x32: {  	v7 =	vld.idx.msk [tilespmem:v7+s4+$0x0], $0xffff  }
0x33: {  	v15 =	vld.idx.msk [tilespmem:v15+s4+$0x0], $0xffff  }
0x34: {  	v17 =	vld.idx.msk [tilespmem:v0+s5+$0x0], $0xffff  }
0x35: {  	v2 =	vld.idx.msk [tilespmem:v10+s5+$0x0], $0xffff  }
0x36: {  	v8 =	vadd.f32 v1, v8;
	v1 =	vld.idx.msk [tilespmem:v11+s4+$0x0], $0xffff  }
0x37: {  	s6 =	simm.s32 $0xEC40;
	v4 =	vadd.f32 v4, v3;
	v0 =	vld.idx.msk [tilespmem:v9+s4+$0x0], $0xffff  }
0x38: {  	s3 =	sshrl.u32 s3, $0x3;
	s31 =	sshrl.u32 s12, $0x3;
	v5 =	vadd.f32 v6, v5;
	v3 =	vld.idx.msk [tilespmem:v12+s5+$0x0], $0xffff;
	[tilespmem:s6+$0x30] =	vst v8  }
0x39: {  	s8 =	sshrl.u32 s8, $0x3;
	s7 =	sadd.s32 s2, s3;
	s3 =	sadd.s32 s2, s31;
	[tilespmem:s6+$0xFFFFFFD0] =	vst v4;
	v4 =	vld.idx.msk [tilespmem:v13+s4+$0x0], $0xffff;
	v7 =	vadd.f32 v17, v7  }
0x3a: {  	s2 =	sadd.s32 s2, s8;
	s8 =	simm.s32 $0x0;
	s9 =	simm.s32 $0x5080;
	v6 =	vadd.f32 v16, v15;
	[tilespmem:s6+$0xFFFFFFE0] =	vst v5;
	v5 =	vld.idx.msk [tilespmem:v14+s5+$0x0], $0xffff  }
.LBB2_1:
0x3b: {  	v8 =	vld [tilespmem:s9+$0xFFFFFFF0];
	[tilespmem:s6+$0xFFFFFFF0] =	vst v7  }
0x3c: {  	s8 =	sadd.s32 $0x80, s8;
	v0 =	vadd.f32 v2, v0;
	v7 =	vld [tilespmem:s9+$0x70];
	[tilespmem:s6+$0xFFFFFFC0] =	vst v6  }
0x3d: {  	p1 =	slt.u32 s8, $0x2680;
	v2 =	vld [tilespmem:s9+$0x0]  }
0x3e: {  	v6 =	vld [tilespmem:s9+$0xFFFFFF90];
	[tilespmem:s6+$0x0] =	vst v0;
	v0 =	vadd.f32 v3, v1  }
0x3f: {  	v1 =	vld [tilespmem:s9+$0x10]  }
0x40: {  	v3 =	vld [tilespmem:s9+$0xFFFFFFA0];
	[tilespmem:s6+$0x10] =	vst v0;
	v0 =	vadd.f32 v5, v4  }
0x41: {  	v4 =	vld [tilespmem:s9+$0x20]  }
0x42: {  	v5 =	vld [tilespmem:s9+$0xFFFFFFB0];
	[tilespmem:s6+$0x20] =	vst v0  }
0x43: {  	v0 =	vld.idx.msk [tilespmem:v8+s4+$0x0], $0xffff  }
0x44: {  	v7 =	vld.idx.msk [tilespmem:v7+s5+$0x0], $0xffff  }
0x45: {  	v8 =	vld [tilespmem:s9+$0x30]  }
0x46: {  	v9 =	vld [tilespmem:s9+$0xFFFFFFC0]  }
0x47: {  	v10 =	vld [tilespmem:s9+$0x40]  }
0x48: {  	v11 =	vld [tilespmem:s9+$0xFFFFFFD0]  }
0x49: {  	v12 =	vld [tilespmem:s9+$0x50]  }
0x4a: {  	v0 =	vadd.f32 v7, v0;
	v13 =	vld [tilespmem:s9+$0xFFFFFFE0]  }
0x4b: {  	s6 =	sadd.s32 $0x80, s6;
	v14 =	vld [tilespmem:s9+$0x60]  }
0x4c: {  	v7 =	vld [tilespmem:s9+$0xFFFFFF80];
	[tilespmem:s6+$0x30] =	vst v0  }
0x4d: {  	v15 =	vld.idx.msk [tilespmem:v2+s5+$0x0], $0xffff  }
0x4e: {  	v0 =	vld.idx.msk [tilespmem:v6+s4+$0x0], $0xffff  }
0x4f: {  	v1 =	vld.idx.msk [tilespmem:v1+s5+$0x0], $0xffff  }
0x50: {  	v3 =	vld.idx.msk [tilespmem:v3+s4+$0x0], $0xffff  }
0x51: {  	v4 =	vld.idx.msk [tilespmem:v4+s5+$0x0], $0xffff  }
0x52: {  	v5 =	vld.idx.msk [tilespmem:v5+s4+$0x0], $0xffff  }
0x53: {  	v6 =	vld.idx.msk [tilespmem:v8+s5+$0x0], $0xffff  }
0x54: {  	v8 =	vld.idx.msk [tilespmem:v7+s4+$0x0], $0xffff  }
0x55: {  	v1 =	vadd.f32 v1, v0;
	v0 =	vld.idx.msk [tilespmem:v9+s4+$0x0], $0xffff  }
.Ltmp0:
0x56: {  	v2 =	vld.idx.msk [tilespmem:v10+s5+$0x0], $0xffff;
	(pc) =	sbr.rel @p1 .LBB2_1-.Ltmp0, $4  }
0x57: {  	v4 =	vadd.f32 v4, v3;
	[tilespmem:s6+$0xFFFFFFD0] =	vst v1;
	v1 =	vld.idx.msk [tilespmem:v11+s4+$0x0], $0xffff  }
0x58: {  	v3 =	vld.idx.msk [tilespmem:v12+s5+$0x0], $0xffff  }
0x59: {  	v7 =	vadd.f32 v6, v5;
	[tilespmem:s6+$0xFFFFFFE0] =	vst v4;
	v4 =	vld.idx.msk [tilespmem:v13+s4+$0x0], $0xffff  }
0x5a: {  	s9 =	sadd.s32 $0x100, s9;
	v6 =	vadd.f32 v15, v8;
	v5 =	vld.idx.msk [tilespmem:v14+s5+$0x0], $0xffff  }
0x5b: {  	_ =	sdelay $0x1  }
0x5c: {  	[tilespmem:s6+$0xFFFFFFF0] =	vst v7;
	v0 =	vadd.f32 v2, v0  }
0x5d: {  	[tilespmem:s6+$0xFFFFFFC0] =	vst v6;
	v1 =	vadd.f32 v3, v1  }
0x5e: {  	[tilespmem:s6+$0x0] =	vst v0;
	v0 =	vadd.f32 v5, v4  }
0x5f: {  	[tilespmem:s6+$0x10] =	vst v1  }
0x60: {  	s4 =	simm.s32 $0x0;
	s5 =	simm.s32 $0xEC00;
	s30 =	simm.s32 $0x2;
	[tilespmem:s6+$0x20] =	vst v0  }
0x61: {  	[hbm4b:s7+s4] =	stream.linear.scatter [tilespmem:s5], [sflag:$0x3], $0x2700, $0x38;
	[tilespmem:$0x13A80] =	vst v63  }
0x62: {  	_ =	swait.ge [sflag:s30], $0x4E00  }
0x63: {  	[sflag:s30] =	ssyncset.done $0x0  }
0x64: {  	s31 =	simm.s32 $0x9D00;
	[sflag:s30] =	ssyncadd.s32 $0xFFFFB200  }
0x65: {  	v0 =	vld [tilespmem:s31+$0x70]  }
0x66: {  	v1 =	vld [tilespmem:s31+$0xF0]  }
0x67: {  	v2 =	vld [tilespmem:s31+$0x80]  }
0x68: {  	v3 =	vld [tilespmem:s31+$0x10]  }
0x69: {  	v4 =	vld [tilespmem:s31+$0x90]  }
0x6a: {  	v5 =	vld [tilespmem:s31+$0x20]  }
0x6b: {  	v6 =	vld [tilespmem:s31+$0xA0]  }
0x6c: {  	v7 =	vld [tilespmem:s31+$0x30]  }
0x6d: {  	v9 =	vld [tilespmem:s31+$0x40]  }
0x6e: {  	v10 =	vld [tilespmem:s31+$0xC0]  }
0x6f: {  	v11 =	vld [tilespmem:s31+$0x50]  }
0x70: {  	v12 =	vld [tilespmem:s31+$0xD0]  }
0x71: {  	v13 =	vld [tilespmem:s31+$0x60]  }
0x72: {  	v14 =	vld [tilespmem:s31+$0xE0]  }
0x73: {  	v15 =	vld [tilespmem:s31+$0x0]  }
0x74: {  	s5 =	simm.s32 $0x2780;
	v8 =	vld.idx.msk [tilespmem:v0+s4+$0x0], $0xffff  }
0x75: {  	v1 =	vld.idx.msk [tilespmem:v1+s5+$0x0], $0xffff  }
0x76: {  	v0 =	vld [tilespmem:s31+$0xB0]  }
0x77: {  	v16 =	vld.idx.msk [tilespmem:v2+s5+$0x0], $0xffff  }
0x78: {  	v3 =	vld.idx.msk [tilespmem:v3+s4+$0x0], $0xffff  }
0x79: {  	v4 =	vld.idx.msk [tilespmem:v4+s5+$0x0], $0xffff  }
0x7a: {  	v5 =	vld.idx.msk [tilespmem:v5+s4+$0x0], $0xffff  }
0x7b: {  	v6 =	vld.idx.msk [tilespmem:v6+s5+$0x0], $0xffff  }
0x7c: {  	v7 =	vld.idx.msk [tilespmem:v7+s4+$0x0], $0xffff  }
0x7d: {  	v15 =	vld.idx.msk [tilespmem:v15+s4+$0x0], $0xffff  }
0x7e: {  	v17 =	vld.idx.msk [tilespmem:v0+s5+$0x0], $0xffff  }
0x7f: {  	v2 =	vld.idx.msk [tilespmem:v10+s5+$0x0], $0xffff  }
0x80: {  	v8 =	vadd.f32 v1, v8;
	v1 =	vld.idx.msk [tilespmem:v11+s4+$0x0], $0xffff  }
0x81: {  	s6 =	simm.s32 $0x11370;
	v3 =	vadd.f32 v4, v3;
	v0 =	vld.idx.msk [tilespmem:v9+s4+$0x0], $0xffff  }
0x82: {  	v5 =	vadd.f32 v6, v5;
	v4 =	vld.idx.msk [tilespmem:v12+s5+$0x0], $0xffff;
	[tilespmem:s6+$0x0] =	vst v8  }
0x83: {  	[tilespmem:s6+$0xFFFFFFA0] =	vst v3;
	v3 =	vld.idx.msk [tilespmem:v13+s4+$0x0], $0xffff;
	v7 =	vadd.f32 v17, v7  }
0x84: {  	s8 =	simm.s32 $0x9E00;
	s7 =	simm.s32 $0x2700;
	v6 =	vadd.f32 v16, v15;
	[tilespmem:s6+$0xFFFFFFB0] =	vst v5;
	v5 =	vld.idx.msk [tilespmem:v14+s5+$0x0], $0xffff  }
.LBB2_3:
0x85: {  	v8 =	vld [tilespmem:s8+$0x70];
	[tilespmem:s6+$0xFFFFFFC0] =	vst v7  }
0x86: {  	s7 =	sadd.s32 $0x80, s7;
	v0 =	vadd.f32 v2, v0;
	v7 =	vld [tilespmem:s8+$0xF0];
	[tilespmem:s6+$0xFFFFFF90] =	vst v6  }
0x87: {  	p1 =	slt.u32 s7, $0x4D80;
	v2 =	vld [tilespmem:s8+$0x80]  }
0x88: {  	v6 =	vld [tilespmem:s8+$0x10];
	[tilespmem:s6+$0xFFFFFFD0] =	vst v0;
	v0 =	vadd.f32 v4, v1  }
0x89: {  	v1 =	vld [tilespmem:s8+$0x90]  }
0x8a: {  	v4 =	vld [tilespmem:s8+$0x20];
	[tilespmem:s6+$0xFFFFFFE0] =	vst v0;
	v0 =	vadd.f32 v5, v3  }
0x8b: {  	v3 =	vld [tilespmem:s8+$0xA0]  }
0x8c: {  	v5 =	vld [tilespmem:s8+$0x30];
	[tilespmem:s6+$0xFFFFFFF0] =	vst v0  }
0x8d: {  	v0 =	vld.idx.msk [tilespmem:v8+s4+$0x0], $0xffff  }
0x8e: {  	v7 =	vld.idx.msk [tilespmem:v7+s5+$0x0], $0xffff  }
0x8f: {  	v8 =	vld [tilespmem:s8+$0xB0]  }
0x90: {  	v9 =	vld [tilespmem:s8+$0x40]  }
0x91: {  	v10 =	vld [tilespmem:s8+$0xC0]  }
0x92: {  	v11 =	vld [tilespmem:s8+$0x50]  }
0x93: {  	v12 =	vld [tilespmem:s8+$0xD0]  }
0x94: {  	v0 =	vadd.f32 v7, v0;
	v13 =	vld [tilespmem:s8+$0x60]  }
0x95: {  	s6 =	sadd.s32 $0x80, s6;
	v14 =	vld [tilespmem:s8+$0xE0]  }
0x96: {  	v7 =	vld [tilespmem:s8+$0x0];
	[tilespmem:s6+$0x0] =	vst v0  }
0x97: {  	v15 =	vld.idx.msk [tilespmem:v2+s5+$0x0], $0xffff  }
0x98: {  	v0 =	vld.idx.msk [tilespmem:v6+s4+$0x0], $0xffff  }
0x99: {  	v1 =	vld.idx.msk [tilespmem:v1+s5+$0x0], $0xffff  }
0x9a: {  	v4 =	vld.idx.msk [tilespmem:v4+s4+$0x0], $0xffff  }
0x9b: {  	v3 =	vld.idx.msk [tilespmem:v3+s5+$0x0], $0xffff  }
0x9c: {  	v5 =	vld.idx.msk [tilespmem:v5+s4+$0x0], $0xffff  }
0x9d: {  	v6 =	vld.idx.msk [tilespmem:v8+s5+$0x0], $0xffff  }
0x9e: {  	v8 =	vld.idx.msk [tilespmem:v7+s4+$0x0], $0xffff  }
0x9f: {  	v1 =	vadd.f32 v1, v0;
	v0 =	vld.idx.msk [tilespmem:v9+s4+$0x0], $0xffff  }
.Ltmp1:
0xa0: {  	v2 =	vld.idx.msk [tilespmem:v10+s5+$0x0], $0xffff;
	(pc) =	sbr.rel @p1 .LBB2_3-.Ltmp1, $4  }
0xa1: {  	v3 =	vadd.f32 v3, v4;
	[tilespmem:s6+$0xFFFFFFA0] =	vst v1;
	v1 =	vld.idx.msk [tilespmem:v11+s4+$0x0], $0xffff  }
0xa2: {  	v4 =	vld.idx.msk [tilespmem:v12+s5+$0x0], $0xffff  }
0xa3: {  	v7 =	vadd.f32 v6, v5;
	[tilespmem:s6+$0xFFFFFFB0] =	vst v3;
	v3 =	vld.idx.msk [tilespmem:v13+s4+$0x0], $0xffff  }
0xa4: {  	s8 =	sadd.s32 $0x100, s8;
	v6 =	vadd.f32 v15, v8;
	v5 =	vld.idx.msk [tilespmem:v14+s5+$0x0], $0xffff  }
0xa5: {  	_ =	sdelay $0x1  }
0xa6: {  	[tilespmem:s6+$0xFFFFFFC0] =	vst v7;
	v0 =	vadd.f32 v2, v0  }
0xa7: {  	[tilespmem:s6+$0xFFFFFF90] =	vst v6;
	v1 =	vadd.f32 v4, v1  }
0xa8: {  	[tilespmem:s6+$0xFFFFFFD0] =	vst v0;
	v63 =	vadd.f32 v5, v3  }
0xa9: {  	[tilespmem:s6+$0xFFFFFFE0] =	vst v1  }
0xaa: {  	s4 =	simm.s32 $0x0;
	s5 =	simm.s32 $0x11300;
	[tilespmem:s6+$0xFFFFFFF0] =	vst v63  }
0xab: {  	[hbm4b:s3+s4] =	stream.linear.scatter [tilespmem:s5], [sflag:$0x3], $0x2700, $0x38;
	[tilespmem:$0x13A80] =	vst v63  }
0xac: {  	s3 =	simm.s32 @!p0 $0x2  }
0xad: {  	_ =	swait.ge @!p0 [sflag:s3], $0x100  }
0xae: {  	[sflag:s3] =	ssyncset.done @!p0 $0x0  }
0xaf: {  	[sflag:s3] =	ssyncadd.s32 @!p0 $0xFFFFFF00  }
0xb0: {  	v0 =	vld @!p0 [tilespmem:$0xEB00]  }
0xb1: {  	v1 =	vld @!p0 [tilespmem:$0xEB80]  }
0xb2: {  	v2 =	vld @!p0 [tilespmem:$0xEB10]  }
0xb3: {  	v3 =	vld @!p0 [tilespmem:$0xEB90]  }
0xb4: {  	v4 =	vld @!p0 [tilespmem:$0xEB20]  }
0xb5: {  	v5 =	vld @!p0 [tilespmem:$0xEBA0]  }
0xb6: {  	v6 =	vld @!p0 [tilespmem:$0xEB30]  }
0xb7: {  	v7 =	vld @!p0 [tilespmem:$0xEBB0]  }
0xb8: {  	v8 =	vld @!p0 [tilespmem:$0xEB40]  }
0xb9: {  	v9 =	vld @!p0 [tilespmem:$0xEBC0]  }
0xba: {  	v10 =	vld @!p0 [tilespmem:$0xEB50]  }
0xbb: {  	v11 =	vld @!p0 [tilespmem:$0xEBD0]  }
0xbc: {  	v12 =	vld @!p0 [tilespmem:$0xEB60]  }
0xbd: {  	v13 =	vld @!p0 [tilespmem:$0xEBE0]  }
0xbe: {  	v14 =	vld @!p0 [tilespmem:$0xEB70]  }
0xbf: {  	s3 =	simm.s32 @!p0 $0x0;
	v15 =	vld @!p0 [tilespmem:$0xEBF0]  }
0xc0: {  	s4 =	simm.s32 @!p0 $0x2780;
	v0 =	vld.idx.msk @!p0 [tilespmem:v0+s3+$0x0], $0xffff  }
0xc1: {  	v1 =	vld.idx.msk @!p0 [tilespmem:v1+s4+$0x0], $0xffff  }
0xc2: {  	v2 =	vld.idx.msk @!p0 [tilespmem:v2+s3+$0x0], $0xffff  }
0xc3: {  	v3 =	vld.idx.msk @!p0 [tilespmem:v3+s4+$0x0], $0xffff  }
0xc4: {  	v4 =	vld.idx.msk @!p0 [tilespmem:v4+s3+$0x0], $0xffff  }
0xc5: {  	v5 =	vld.idx.msk @!p0 [tilespmem:v5+s4+$0x0], $0xffff  }
0xc6: {  	v6 =	vld.idx.msk @!p0 [tilespmem:v6+s3+$0x0], $0xffff  }
0xc7: {  	v7 =	vld.idx.msk @!p0 [tilespmem:v7+s4+$0x0], $0xffff  }
0xc8: {  	v8 =	vld.idx.msk @!p0 [tilespmem:v8+s3+$0x0], $0xffff  }
0xc9: {  	v9 =	vld.idx.msk @!p0 [tilespmem:v9+s4+$0x0], $0xffff  }
0xca: {  	v10 =	vld.idx.msk @!p0 [tilespmem:v10+s3+$0x0], $0xffff  }
0xcb: {  	v11 =	vld.idx.msk @!p0 [tilespmem:v11+s4+$0x0], $0xffff  }
0xcc: {  	v12 =	vld.idx.msk @!p0 [tilespmem:v12+s3+$0x0], $0xffff  }
0xcd: {  	v0 =	vadd.f32 @!p0 v1, v0;
	v1 =	vld.idx.msk @!p0 [tilespmem:v13+s4+$0x0], $0xffff  }
0xce: {  	v2 =	vadd.f32 @!p0 v3, v2;
	v3 =	vld.idx.msk @!p0 [tilespmem:v14+s3+$0x0], $0xffff  }
0xcf: {  	[tilespmem:$0x13A00] =	vst @!p0 v0;
	v0 =	vadd.f32 @!p0 v5, v4;
	v4 =	vld.idx.msk @!p0 [tilespmem:v15+s4+$0x0], $0xffff  }
0xd0: {  	[tilespmem:$0x13A10] =	vst @!p0 v2;
	v2 =	vadd.f32 @!p0 v7, v6  }
0xd1: {  	[tilespmem:$0x13A20] =	vst @!p0 v0;
	v0 =	vadd.f32 @!p0 v9, v8  }
0xd2: {  	[tilespmem:$0x13A30] =	vst @!p0 v2;
	v2 =	vadd.f32 @!p0 v11, v10  }
0xd3: {  	[tilespmem:$0x13A40] =	vst @!p0 v0;
	v0 =	vadd.f32 @!p0 v1, v12  }
0xd4: {  	[tilespmem:$0x13A50] =	vst @!p0 v2;
	v1 =	vadd.f32 @!p0 v4, v3  }
0xd5: {  	[tilespmem:$0x13A60] =	vst @!p0 v0  }
0xd6: {  	s4 =	simm.s32 @!p0 $0x13A00;
	[tilespmem:$0x13A70] =	vst @!p0 v1  }
0xd7: {  	[hbm4b:s2+s3] =	stream.linear.scatter @!p0 [tilespmem:s4], [sflag:$0x4], $0x80, $0x38;
	[tilespmem:$0x13A80] =	vst v63  }
0xd8: {  	s2 =	simm.s32 @!p0 $0x4  }
0xd9: {  	_ =	swait.ge @!p0 [sflag:s2], $0x80  }
0xda: {  	[sflag:s2] =	ssyncset.done @!p0 $0x0  }
0xdb: {  	s31 =	simm.s32 $0x3;
	[sflag:s2] =	ssyncadd.s32 @!p0 $0xFFFFFF80  }
0xdc: {  	_ =	swait.ge [sflag:s31], $0x2700  }
0xdd: {  	[sflag:s31] =	ssyncset.done $0x0  }
0xde: {  	[sflag:s31] =	ssyncadd.s32 $0xFFFFD900  }
0xdf: {  	_ =	swait.ge [sflag:s31], $0x2700  }
0xe0: {  	[sflag:s31] =	ssyncset.done $0x0  }
0xe1: {  	[sflag:s31] =	ssyncadd.s32 $0xFFFFD900  }
0xe2: {  	_ =	sfence.sel $0x180000  }
0xe3: {  	[bflag:$0x0] =	sbarrier.arrive $0xFFFF  }
0xe4: {  	p0 =	sne.s32 s1, $0x0;
	_ =	strace $0x90000047  }
0xe5: {  	s0 =	sadd.s32 @!p0 $0x100000, s0;
	[bflag:$0x2] =	sbarrier.arrive $0xFFFF  }
0xe6: {  	[sflag:s0] =	ssyncadd.tile.s32 @!p0 $0x1;
	_ =	shalt  }
.Lfunc_end2:
_tile_overlayer_lowered:
.L_overlay_start_2:
0xe7: {  	(tag) =	ssettag $0x2  }
0xe8: {  	s0 =	rddreg [dreg:$0x0];
	s2 =	stileid.u32  }
0xe9: {  	s1 =	rddreg [dreg:$0x1];
	p0 =	sne.s32 s2, $0x0  }
0xea: {  	s3 =	rddreg [dreg:$0x2];
	[bflag:$0x3] =	sbarrier.arrive $0xFFFF;
	s2 =	simm.s32 @!p0 $0x1C04  }
0xeb: {  	[timem:s3], [sflag:s2] =	dma.local @!p0 [hbm:s0], s1  }
0xec: {  	s0 =	simm.s32 @!p0 $0x4  }
0xed: {  	_ =	swait.ge @!p0 [sflag:s0], s1  }
0xee: {  	s1 =	ssub.s32 @!p0 $0x0, s1;
	[sflag:s0] =	ssyncset.done @!p0 $0x0  }
0xef: {  	[sflag:s0] =	ssyncadd.s32 @!p0 s1  }
0xf0: {  	[bflag:$0x3] =	sbarrier.arrive $0xFFFF  }
0xf1: {  	_ =	shalt  }

</sc_bundles>
